<compile_context>
chip_gen: v7x
topology: tpu7x:2x2x1
jax: 0.10.2.dev20260603
libtpu: 0.0.44.dev20260713+nightly
codegen_flags: <defaults>
</compile_context>

<pallas_src>
import functools

import jax
import jax.numpy as jnp
from jax import lax
from jax.experimental import pallas as pl
from jax.experimental.pallas import tpu as pltpu
from jax.experimental.pallas import tpu_sc as plsc

N_FEAT = 1000
DIM = 64
BATCH = 1024
FC = 5
FCHUNK = N_FEAT // FC
CHUNK_ELEMS = FCHUNK * DIM


def kernel(x_categorical, weight, embedding_bias):
    idx = x_categorical.astype(jnp.int32).reshape(-1)
    wflat = weight.reshape(-1)
    bflat = embedding_bias.reshape(-1)

    info = plsc.get_sparse_core_info()
    nc, ns = info.num_cores, info.num_subcores
    nw = nc * ns
    bpw = BATCH // nw

    mesh = plsc.VectorSubcoreMesh(core_axis_name="c", subcore_axis_name="s")

    @functools.partial(
        pl.kernel,
        out_type=jax.ShapeDtypeStruct((BATCH * N_FEAT * DIM,), jnp.float32),
        mesh=mesh,
        compiler_params=pltpu.CompilerParams(needs_layout_passes=False),
        scratch_types=[
            pltpu.VMEM((N_FEAT * DIM,), jnp.float32),
            pltpu.VMEM((CHUNK_ELEMS,), jnp.float32),
            pltpu.VMEM((FCHUNK,), jnp.int32),
            pltpu.VMEM((CHUNK_ELEMS,), jnp.float32),
        ],
    )
    def run(idx_hbm, w_hbm, b_hbm, out_hbm, w_v, bias_v, idx_v, out_v):
        wid = lax.axis_index("s") * nc + lax.axis_index("c")
        b0 = wid * bpw
        pltpu.sync_copy(w_hbm, w_v)
        lane = lax.iota(jnp.int32, 16)

        def fc_body(fc, _):
            pltpu.sync_copy(b_hbm.at[pl.ds(fc * CHUNK_ELEMS, CHUNK_ELEMS)], bias_v)

            def b_body(bi, _):
                brow = b0 + bi
                idx_off = pl.multiple_of(brow * N_FEAT + fc * FCHUNK, 8)
                pltpu.sync_copy(idx_hbm.at[pl.ds(idx_off, FCHUNK)], idx_v)

                def j_body(j, _):
                    jvec = jnp.full((16,), j, jnp.int32)
                    iv = plsc.load_gather(idx_v, [jvec])
                    base = iv * DIM
                    for l in range(4):
                        w = plsc.load_gather(w_v, [base + (l * 16 + lane)])
                        off = j * DIM + l * 16
                        out_v[pl.ds(off, 16)] = w + bias_v[pl.ds(off, 16)]
                    return 0

                lax.fori_loop(0, FCHUNK, j_body, 0)
                out_off = pl.multiple_of(
                    brow * (N_FEAT * DIM) + fc * CHUNK_ELEMS, 8)
                pltpu.sync_copy(out_v, out_hbm.at[pl.ds(out_off, CHUNK_ELEMS)])
                return 0

            lax.fori_loop(0, bpw, b_body, 0)
            return 0

        lax.fori_loop(0, FC, fc_body, 0)

    return run(idx, wflat, bflat).reshape(BATCH, N_FEAT * DIM)

# --- scband reference (transcript-rebuilt; emitter-appended) ---
"""Pipeline reference for scband-categorical-embeddings-86646670229971 (READ-ONLY COPY).

The authoritative reference and input builder live on the scoring server;
editing this copy changes nothing except your own understanding.
"""

import jax, jax.numpy as jnp
import numpy as np
import math

N_FEATURES = 1000
EMBED_DIM = 64
BATCH = 1024

def _kaiming_uniform(key, shape, a=math.sqrt(5)):
    # torch kaiming_uniform_ with fan_in = shape[1]
    fan_in = shape[1]
    gain = math.sqrt(2.0 / (1.0 + a * a))
    bound = gain * math.sqrt(3.0 / fan_in)
    return jax.random.uniform(key, shape, dtype=jnp.float32, minval=-bound, maxval=bound)

def setup_inputs(seed: int = 0) -> dict:
    key = jax.random.key(seed)
    k_idx, k_w, k_b = jax.random.split(key, 3)
    x_categorical = jax.random.randint(k_idx, (BATCH, N_FEATURES), 0, N_FEATURES, dtype=jnp.int64 if jax.config.jax_enable_x64 else jnp.int32)
    weight = _kaiming_uniform(k_w, (N_FEATURES, EMBED_DIM))
    embedding_bias = _kaiming_uniform(k_b, (N_FEATURES, EMBED_DIM))
    return {"x_categorical": x_categorical, "weight": weight, "embedding_bias": embedding_bias}

def reference(x_categorical, weight, embedding_bias):
    idx = x_categorical.astype(jnp.int32)
    emb = jnp.take(weight, idx, axis=0)            # [B, n_features, embed_dim]
    emb = emb + embedding_bias[None]               # broadcast add per-feature bias
    out = emb.reshape(emb.shape[0], -1)            # [B, n_features * embed_dim]
    return out

if __name__ == "__main__":
    import jax
    _d = setup_inputs()
    print(jax.jit(kernel)(*tuple(_d.values())))

</pallas_src>

<mosaic_0001>
#map = affine_map<(d0, d1) -> (0)>
module attributes {stable_mosaic.version = 14 : i64} {
  func.func @run(%arg0: i32, %arg1: i32, %arg2: memref<1024000xi32, #tpu.memory_space<hbm>>, %arg3: memref<64000xf32, #tpu.memory_space<hbm>>, %arg4: memref<64000xf32, #tpu.memory_space<hbm>>, %arg5: memref<65536000xf32, #tpu.memory_space<hbm>>, %arg6: memref<64000xf32, #tpu.memory_space<vmem>>, %arg7: memref<12800xf32, #tpu.memory_space<vmem>>, %arg8: memref<200xi32, #tpu.memory_space<vmem>>, %arg9: memref<12800xf32, #tpu.memory_space<vmem>>) attributes {dimension_semantics = [#tpu.dimension_semantics<core_parallel>, #tpu.dimension_semantics<subcore_parallel>], iteration_bounds = array<i64: 2, 16>, scalar_prefetch = 0 : i64, scratch_operands = 4 : i64, tpu.core_type = #tpu.core_type<sc_vector_subcore>, window_params = [{transform_indices = #map}, {transform_indices = #map}, {transform_indices = #map}, {transform_indices = #map}]} {
    %mul3A = arith.constant 2 : i32
    %mul3A_0 = arith.muli %arg1, %mul3A : i32
    %add3A = arith.addi %mul3A_0, %arg0 : i32
    %mul3A_1 = arith.constant 32 : i32
    %mul3A_2 = arith.muli %add3A, %mul3A_1 : i32
    "tpu.region"() ({
      %run_scoped3A = tpu.sem_alloc : memref<!tpu.dma_semaphore, #tpu.memory_space<semaphore_mem>>
      tpu.enqueue_dma source(%arg3 : memref<64000xf32, #tpu.memory_space<hbm>>) target(%arg6 : memref<64000xf32, #tpu.memory_space<vmem>>) target_semaphore(%run_scoped3A : memref<!tpu.dma_semaphore, #tpu.memory_space<semaphore_mem>>)
      tpu.wait_dma2 semaphore(%run_scoped3A : memref<!tpu.dma_semaphore, #tpu.memory_space<semaphore_mem>>) src(%arg3 : memref<64000xf32, #tpu.memory_space<hbm>>) dst(%arg6 : memref<64000xf32, #tpu.memory_space<vmem>>)
      tpu.yield
    }) : () -> ()
    %iota3A = tpu.iota {dimensions = array<i32: 0>} : vector<16xi32>
    %scan3A = arith.constant 0 : i32
    %scan3A_3 = arith.constant 0 : i32
    %scan3A_4 = arith.constant 5 : i32
    %scan3A_5 = arith.addi %scan3A_3, %scan3A_4 : i32
    %scan3A_6 = arith.constant 1 : i32
    %scan3A_7 = scf.for %scan3A_9 = %scan3A_3 to %scan3A_5 step %scan3A_6 iter_args(%scan3A_10 = %scan3A) -> (i32)  : i32 {
      %mul3A_11 = arith.constant 12800 : i32
      %mul3A_12 = arith.muli %scan3A_9, %mul3A_11 : i32
      "tpu.region"() ({
        %run_scoped3A = tpu.sem_alloc : memref<!tpu.dma_semaphore, #tpu.memory_space<semaphore_mem>>
        %dma_start3A = tpu.memref_slice %arg4[%mul3A_12] : memref<64000xf32, #tpu.memory_space<hbm>> -> memref<12800xf32, #tpu.memory_space<hbm>>
        %dma_start3A_21 = tpu.memref_slice %arg4[%mul3A_12] : memref<64000xf32, #tpu.memory_space<hbm>> -> memref<12800xf32, #tpu.memory_space<hbm>>
        tpu.enqueue_dma source(%dma_start3A_21 : memref<12800xf32, #tpu.memory_space<hbm>>) target(%arg7 : memref<12800xf32, #tpu.memory_space<vmem>>) target_semaphore(%run_scoped3A : memref<!tpu.dma_semaphore, #tpu.memory_space<semaphore_mem>>)
        %dma_wait3A = tpu.memref_slice %arg4[%mul3A_12] : memref<64000xf32, #tpu.memory_space<hbm>> -> memref<12800xf32, #tpu.memory_space<hbm>>
        %dma_wait3A_22 = tpu.memref_slice %arg4[%mul3A_12] : memref<64000xf32, #tpu.memory_space<hbm>> -> memref<12800xf32, #tpu.memory_space<hbm>>
        tpu.wait_dma2 semaphore(%run_scoped3A : memref<!tpu.dma_semaphore, #tpu.memory_space<semaphore_mem>>) src(%dma_wait3A_22 : memref<12800xf32, #tpu.memory_space<hbm>>) dst(%arg7 : memref<12800xf32, #tpu.memory_space<vmem>>)
        tpu.yield
      }) : () -> ()
      %scan3A_13 = arith.constant 0 : i32
      %scan3A_14 = arith.constant 0 : i32
      %scan3A_15 = arith.constant 32 : i32
      %scan3A_16 = arith.addi %scan3A_14, %scan3A_15 : i32
      %scan3A_17 = arith.constant 1 : i32
      %scan3A_18 = scf.for %scan3A_21 = %scan3A_14 to %scan3A_16 step %scan3A_17 iter_args(%scan3A_22 = %scan3A_13) -> (i32)  : i32 {
        %add3A_23 = arith.addi %mul3A_2, %scan3A_21 : i32
        %mul3A_24 = arith.constant 1000 : i32
        %mul3A_25 = arith.muli %add3A_23, %mul3A_24 : i32
        %mul3A_26 = arith.constant 200 : i32
        %mul3A_27 = arith.muli %scan3A_9, %mul3A_26 : i32
        %add3A_28 = arith.addi %mul3A_25, %mul3A_27 : i32
        %multiple_of3A = tpu.assume_multiple %add3A_28, 8 : i32
        "tpu.region"() ({
          %run_scoped3A = tpu.sem_alloc : memref<!tpu.dma_semaphore, #tpu.memory_space<semaphore_mem>>
          %dma_start3A = tpu.memref_slice %arg2[%multiple_of3A] : memref<1024000xi32, #tpu.memory_space<hbm>> -> memref<200xi32, #tpu.memory_space<hbm>>
          %dma_start3A_43 = tpu.memref_slice %arg2[%multiple_of3A] : memref<1024000xi32, #tpu.memory_space<hbm>> -> memref<200xi32, #tpu.memory_space<hbm>>
          tpu.enqueue_dma source(%dma_start3A_43 : memref<200xi32, #tpu.memory_space<hbm>>) target(%arg8 : memref<200xi32, #tpu.memory_space<vmem>>) target_semaphore(%run_scoped3A : memref<!tpu.dma_semaphore, #tpu.memory_space<semaphore_mem>>)
          %dma_wait3A = tpu.memref_slice %arg2[%multiple_of3A] : memref<1024000xi32, #tpu.memory_space<hbm>> -> memref<200xi32, #tpu.memory_space<hbm>>
          %dma_wait3A_44 = tpu.memref_slice %arg2[%multiple_of3A] : memref<1024000xi32, #tpu.memory_space<hbm>> -> memref<200xi32, #tpu.memory_space<hbm>>
          tpu.wait_dma2 semaphore(%run_scoped3A : memref<!tpu.dma_semaphore, #tpu.memory_space<semaphore_mem>>) src(%dma_wait3A_44 : memref<200xi32, #tpu.memory_space<hbm>>) dst(%arg8 : memref<200xi32, #tpu.memory_space<vmem>>)
          tpu.yield
        }) : () -> ()
        %scan3A_29 = arith.constant 0 : i32
        %scan3A_30 = arith.constant 0 : i32
        %scan3A_31 = arith.constant 200 : i32
        %scan3A_32 = arith.addi %scan3A_30, %scan3A_31 : i32
        %scan3A_33 = arith.constant 1 : i32
        %scan3A_34 = scf.for %scan3A_43 = %scan3A_30 to %scan3A_32 step %scan3A_33 iter_args(%scan3A_44 = %scan3A_29) -> (i32)  : i32 {
          %broadcast_in_dim3A = vector.broadcast %scan3A_43 : i32 to vector<16xi32>
          %gather3A = tpu.vector_load_idx %arg8[%broadcast_in_dim3A] : memref<200xi32, #tpu.memory_space<vmem>>[vector<16xi32>], vector<16xi32>,
          %mul3A_45 = arith.constant 64 : i32
          %mul3A_46 = vector.broadcast %mul3A_45 : i32 to vector<16xi32>
          %mul3A_47 = arith.muli %gather3A, %mul3A_46 : vector<16xi32>
          %add3A_48 = arith.constant 0 : i32
          %add3A_49 = vector.broadcast %add3A_48 : i32 to vector<16xi32>
          %add3A_50 = arith.addi %add3A_49, %iota3A : vector<16xi32>
          %add3A_51 = arith.addi %mul3A_47, %add3A_50 : vector<16xi32>
          %gather3A_52 = tpu.vector_load_idx %arg6[%add3A_51] : memref<64000xf32, #tpu.memory_space<vmem>>[vector<16xi32>], vector<16xf32>,
          %mul3A_53 = arith.constant 64 : i32
          %mul3A_54 = arith.muli %scan3A_43, %mul3A_53 : i32
          %add3A_55 = arith.constant 0 : i32
          %add3A_56 = arith.addi %mul3A_54, %add3A_55 : i32
          %get3A = arith.index_cast %add3A_56 : i32 to index
          %get3A_57 = tpu.vector_load %arg7[%get3A] {strides = array<i32>} : memref<12800xf32, #tpu.memory_space<vmem>>, vector<16xf32>,
          %add3A_58 = arith.addf %gather3A_52, %get3A_57 : vector<16xf32>
          %swap3A = arith.index_cast %add3A_56 : i32 to index
          %swap3A_59 = tpu.vector_load %arg9[%swap3A] {strides = array<i32>} : memref<12800xf32, #tpu.memory_space<vmem>>, vector<16xf32>,
          tpu.vector_store %arg9[%swap3A], %add3A_58 {strides = array<i32>} : memref<12800xf32, #tpu.memory_space<vmem>>, vector<16xf32>,
          %add3A_60 = arith.constant 16 : i32
          %add3A_61 = vector.broadcast %add3A_60 : i32 to vector<16xi32>
          %add3A_62 = arith.addi %add3A_61, %iota3A : vector<16xi32>
          %add3A_63 = arith.addi %mul3A_47, %add3A_62 : vector<16xi32>
          %gather3A_64 = tpu.vector_load_idx %arg6[%add3A_63] : memref<64000xf32, #tpu.memory_space<vmem>>[vector<16xi32>], vector<16xf32>,
          %mul3A_65 = arith.constant 64 : i32
          %mul3A_66 = arith.muli %scan3A_43, %mul3A_65 : i32
          %add3A_67 = arith.constant 16 : i32
          %add3A_68 = arith.addi %mul3A_66, %add3A_67 : i32
          %get3A_69 = arith.index_cast %add3A_68 : i32 to index
          %get3A_70 = tpu.vector_load %arg7[%get3A_69] {strides = array<i32>} : memref<12800xf32, #tpu.memory_space<vmem>>, vector<16xf32>,
          %add3A_71 = arith.addf %gather3A_64, %get3A_70 : vector<16xf32>
          %swap3A_72 = arith.index_cast %add3A_68 : i32 to index
          %swap3A_73 = tpu.vector_load %arg9[%swap3A_72] {strides = array<i32>} : memref<12800xf32, #tpu.memory_space<vmem>>, vector<16xf32>,
          tpu.vector_store %arg9[%swap3A_72], %add3A_71 {strides = array<i32>} : memref<12800xf32, #tpu.memory_space<vmem>>, vector<16xf32>,
          %add3A_74 = arith.constant 32 : i32
          %add3A_75 = vector.broadcast %add3A_74 : i32 to vector<16xi32>
          %add3A_76 = arith.addi %add3A_75, %iota3A : vector<16xi32>
          %add3A_77 = arith.addi %mul3A_47, %add3A_76 : vector<16xi32>
          %gather3A_78 = tpu.vector_load_idx %arg6[%add3A_77] : memref<64000xf32, #tpu.memory_space<vmem>>[vector<16xi32>], vector<16xf32>,
          %mul3A_79 = arith.constant 64 : i32
          %mul3A_80 = arith.muli %scan3A_43, %mul3A_79 : i32
          %add3A_81 = arith.constant 32 : i32
          %add3A_82 = arith.addi %mul3A_80, %add3A_81 : i32
          %get3A_83 = arith.index_cast %add3A_82 : i32 to index
          %get3A_84 = tpu.vector_load %arg7[%get3A_83] {strides = array<i32>} : memref<12800xf32, #tpu.memory_space<vmem>>, vector<16xf32>,
          %add3A_85 = arith.addf %gather3A_78, %get3A_84 : vector<16xf32>
          %swap3A_86 = arith.index_cast %add3A_82 : i32 to index
          %swap3A_87 = tpu.vector_load %arg9[%swap3A_86] {strides = array<i32>} : memref<12800xf32, #tpu.memory_space<vmem>>, vector<16xf32>,
          tpu.vector_store %arg9[%swap3A_86], %add3A_85 {strides = array<i32>} : memref<12800xf32, #tpu.memory_space<vmem>>, vector<16xf32>,
          %add3A_88 = arith.constant 48 : i32
          %add3A_89 = vector.broadcast %add3A_88 : i32 to vector<16xi32>
          %add3A_90 = arith.addi %add3A_89, %iota3A : vector<16xi32>
          %add3A_91 = arith.addi %mul3A_47, %add3A_90 : vector<16xi32>
          %gather3A_92 = tpu.vector_load_idx %arg6[%add3A_91] : memref<64000xf32, #tpu.memory_space<vmem>>[vector<16xi32>], vector<16xf32>,
          %mul3A_93 = arith.constant 64 : i32
          %mul3A_94 = arith.muli %scan3A_43, %mul3A_93 : i32
          %add3A_95 = arith.constant 48 : i32
          %add3A_96 = arith.addi %mul3A_94, %add3A_95 : i32
          %get3A_97 = arith.index_cast %add3A_96 : i32 to index
          %get3A_98 = tpu.vector_load %arg7[%get3A_97] {strides = array<i32>} : memref<12800xf32, #tpu.memory_space<vmem>>, vector<16xf32>,
          %add3A_99 = arith.addf %gather3A_92, %get3A_98 : vector<16xf32>
          %swap3A_100 = arith.index_cast %add3A_96 : i32 to index
          %swap3A_101 = tpu.vector_load %arg9[%swap3A_100] {strides = array<i32>} : memref<12800xf32, #tpu.memory_space<vmem>>, vector<16xf32>,
          tpu.vector_store %arg9[%swap3A_100], %add3A_99 {strides = array<i32>} : memref<12800xf32, #tpu.memory_space<vmem>>, vector<16xf32>,
          %scan3A_102 = arith.constant 0 : i32
          scf.yield %scan3A_102 : i32
        }
        %scan3A_35 = arith.constant 200 : i32
        %mul3A_36 = arith.constant 64000 : i32
        %mul3A_37 = arith.muli %add3A_23, %mul3A_36 : i32
        %mul3A_38 = arith.constant 12800 : i32
        %mul3A_39 = arith.muli %scan3A_9, %mul3A_38 : i32
        %add3A_40 = arith.addi %mul3A_37, %mul3A_39 : i32
        %multiple_of3A_41 = tpu.assume_multiple %add3A_40, 8 : i32
        "tpu.region"() ({
          %run_scoped3A = tpu.sem_alloc : memref<!tpu.dma_semaphore, #tpu.memory_space<semaphore_mem>>
          %dma_start3A = tpu.memref_slice %arg5[%multiple_of3A_41] : memref<65536000xf32, #tpu.memory_space<hbm>> -> memref<12800xf32, #tpu.memory_space<hbm>>
          %dma_start3A_43 = tpu.memref_slice %arg5[%multiple_of3A_41] : memref<65536000xf32, #tpu.memory_space<hbm>> -> memref<12800xf32, #tpu.memory_space<hbm>>
          tpu.enqueue_dma source(%arg9 : memref<12800xf32, #tpu.memory_space<vmem>>) target(%dma_start3A_43 : memref<12800xf32, #tpu.memory_space<hbm>>) target_semaphore(%run_scoped3A : memref<!tpu.dma_semaphore, #tpu.memory_space<semaphore_mem>>)
          %dma_wait3A = tpu.memref_slice %arg5[%multiple_of3A_41] : memref<65536000xf32, #tpu.memory_space<hbm>> -> memref<12800xf32, #tpu.memory_space<hbm>>
          %dma_wait3A_44 = tpu.memref_slice %arg5[%multiple_of3A_41] : memref<65536000xf32, #tpu.memory_space<hbm>> -> memref<12800xf32, #tpu.memory_space<hbm>>
          tpu.wait_dma2 semaphore(%run_scoped3A : memref<!tpu.dma_semaphore, #tpu.memory_space<semaphore_mem>>) src(%arg9 : memref<12800xf32, #tpu.memory_space<vmem>>) dst(%dma_wait3A_44 : memref<12800xf32, #tpu.memory_space<hbm>>)
          tpu.yield
        }) : () -> ()
        %scan3A_42 = arith.constant 0 : i32
        scf.yield %scan3A_42 : i32
      }
      %scan3A_19 = arith.constant 32 : i32
      %scan3A_20 = arith.constant 0 : i32
      scf.yield %scan3A_20 : i32
    }
    %scan3A_8 = arith.constant 5 : i32
    return
  }
}

</mosaic_0001>

<sc_bundles>
// kernel: kernel.3.cloned.1.call-start
scs
__scs_entry_jumppad:
0x0: {  	(pc) =	sbr.rel $0x88, $3  }
0x1: {  	(tag) =	ssettag $0x0;
	lr =	simm.s32 $0x1  }
0x2: {  	[smem:$0x3F9E] =	sst lr;
	_ =	strace $0xD0000000  }
0x3: {  	_ = 	snop  }
0x4: {  	_ = 	snop  }
0x5: {  	_ = 	snop  }
0x6: {  	_ = 	snop  }
0x7: {  	_ = 	snop  }
__scs_overlays_trampoline_lowered:
0x8: {  	[smem:$0x3FAD] =	sst s0  }
0x9: {  	[smem:$0x3FAE] =	sst s1  }
0xa: {  	[smem:$0x3FAF] =	sst s2  }
0xb: {  	[smem:$0x3FB0] =	sst s3  }
0xc: {  	[smem:$0x3FB1] =	sst s4  }
0xd: {  	[smem:$0x3FB2] =	sst s5  }
0xe: {  	[smem:$0x3FB3] =	sst s6  }
0xf: {  	[smem:$0x3FB4] =	sst s7  }
0x10: {  	[smem:$0x3FB5] =	sst s8  }
0x11: {  	[smem:$0x3FB6] =	sst s9;
	s0 =	simm.s32 @!p0 $0x0  }
0x12: {  	s1 =	sld [smem:$0x3F9C];
	s0 =	simm.s32 @p0 $0x1  }
0x13: {  	[smem:$0x3FB7] =	sst s0;
	s0 =	simm.s32 @!p1 $0x0  }
0x14: {  	s2 =	sld [smem:$0x3F9B];
	s0 =	simm.s32 @p1 $0x1  }
0x15: {  	[smem:$0x3FB8] =	sst s0;
	s0 =	simm.s32 @!p2 $0x0  }
0x16: {  	s3 =	sld [smem:$0x3FDB];
	s0 =	simm.s32 @p2 $0x1  }
0x17: {  	s4 =	simm.s32 $0x1BF5;
	[smem:$0x3FBA] =	sst s0  }
0x18: {  	s0 =	sld [smem:$0x3F9D];
	_ =	swait.ge [sflag:s4], $0x0  }
0x19: {  	s7 =	sld [smem:$0x3F9E]  }
0x1a: {  	s8 =	sadd.s32 $0xFFFFE003, lr  }
0x1b: {  	s9 =	sadd.s32 $0xFFFFFEF7, lr;
	s5 =	simm.s32 $0xFFFFFFFF;
	p2 =	slt.u32 s8, $0xFFFFF086  }
0x1c: {  	p1 =	slt.u32 s9, $0xF7A;
	s5 =	simm.s32 @!p2 $0x0  }
0x1d: {  	s5 =	simm.s32 @p1 $0x1;
	p0 =	seq.s32 s7, s2  }
0x1e: {  	s7 =	smul.u32 @!p0 $0xF7A, s2;
	p2 =	seq.s32 @!p0 s5, $0x0  }
0x1f: {  	s9 =	smul.u32 $0xF7A, s1;
	s8 =	simm.s32 @!p0 $0x1BF5;
	p2 =	por !p2, p0  }
0x20: {  	[sflag:s8] =	ssyncset.s32 @!p0 $0xFFFFF086;
	s6 =	sadd.s32 @!p0 s3, s7;
	s7 =	simm.s32 @!p0 $0x108  }
0x21: {  	s3 =	sadd.s32 s3, s9;
	s6 =	sadd.s32 @!p0 $0x88, s6;
	s7 =	simm.s32 @p2 $0x1082  }
0x22: {  	[simem:s7], [sflag:s8] =	dma.local @!p0 [hbm:s6], $0xF7A  }
0x23: {  	s9 =	sor.u32 $0xD0000000, s2;
	s6 =	simm.s32 $0x108;
	_ =	swait.ge @!p0 [sflag:s8], $0x0  }
0x24: {  	s3 =	sadd.s32 $0x88, s3;
	s6 =	simm.s32 @!p1 $0x1082;
	[sflag:s4] =	ssyncset.s32 $0xFFFFF086  }
0x25: {  	[simem:s6], [sflag:s4] =	dma.local [hbm:s3], $0xF7A  }
0x26: {  	[smem:$0x3F9E] =	sst s1;
	(tag) =	ssettag s2;
	_ =	strace s9  }
0x27: {  	s1 =	sld [smem:$0x3FAE]  }
0x28: {  	s2 =	sld [smem:$0x3FAF]  }
0x29: {  	s4 =	sld [smem:$0x3FB1]  }
0x2a: {  	p0 =	seq.s32 s5, $0x0;
	s5 =	sld [smem:$0x3FB2]  }
0x2b: {  	s6 =	sld [smem:$0x3FB3]  }
0x2c: {  	s7 =	sld [smem:$0x3FB4]  }
0x2d: {  	s3 =	simm.s32 $0x108;
	s8 =	sld [smem:$0x3FB5]  }
0x2e: {  	s3 =	simm.s32 @!p0 $0x1082;
	s9 =	sld [smem:$0x3FB6]  }
0x2f: {  	lr =	sadd.s32 s0, s3;
	s0 =	sld [smem:$0x3FAD]  }
0x30: {  	s3 =	sld [smem:$0x3FB0]  }
0x31: {  	[smem:$0x3FB9] =	sst s10  }
0x32: {  	s10 =	sld [smem:$0x3FB7];
	_ =	sdelay $0x3  }
0x33: {  	p0 =	seq.s32 s10, $0x1;
	s10 =	sld [smem:$0x3FB9];
	_ =	sdelay $0x3  }
0x34: {  	[smem:$0x3FB9] =	sst s10  }
0x35: {  	s10 =	sld [smem:$0x3FB8];
	_ =	sdelay $0x3  }
0x36: {  	p1 =	seq.s32 s10, $0x1;
	s10 =	sld [smem:$0x3FB9];
	_ =	sdelay $0x3  }
0x37: {  	[smem:$0x3FB9] =	sst s10  }
0x38: {  	s10 =	sld [smem:$0x3FBA]  }
0x39: {  	_ = 	snop;
	(pc) =	sbr.ind lr, $3  }
0x3a: {  	_ = 	snop  }
0x3b: {  	_ = 	snop  }
0x3c: {  	p2 =	seq.s32 s10, $0x1;
	s10 =	sld [smem:$0x3FB9]  }
0x3d: {  	_ =	shalt  }
0x3e: {  	_ =	shalt  }
0x3f: {  	_ =	shalt  }
0x40: {  	_ =	shalt  }
0x41: {  	_ =	shalt  }
0x42: {  	_ =	shalt  }
0x43: {  	_ =	shalt  }
0x44: {  	_ =	shalt  }
0x45: {  	_ =	shalt  }
0x46: {  	_ =	shalt  }
0x47: {  	_ =	shalt  }
0x48: {  	_ =	shalt  }
0x49: {  	_ =	shalt  }
0x4a: {  	_ =	shalt  }
0x4b: {  	_ =	shalt  }
0x4c: {  	_ =	shalt  }
0x4d: {  	_ =	shalt  }
0x4e: {  	_ =	shalt  }
0x4f: {  	_ =	shalt  }
0x50: {  	_ =	shalt  }
0x51: {  	_ =	shalt  }
0x52: {  	_ =	shalt  }
0x53: {  	_ =	shalt  }
0x54: {  	_ =	shalt  }
0x55: {  	_ =	shalt  }
0x56: {  	_ =	shalt  }
0x57: {  	_ =	shalt  }
0x58: {  	_ =	shalt  }
0x59: {  	_ =	shalt  }
0x5a: {  	_ =	shalt  }
0x5b: {  	_ =	shalt  }
0x5c: {  	_ =	shalt  }
0x5d: {  	_ =	shalt  }
0x5e: {  	_ =	shalt  }
0x5f: {  	_ =	shalt  }
0x60: {  	_ =	shalt  }
0x61: {  	_ =	shalt  }
0x62: {  	_ =	shalt  }
0x63: {  	_ =	shalt  }
0x64: {  	_ =	shalt  }
0x65: {  	_ =	shalt  }
0x66: {  	_ =	shalt  }
0x67: {  	_ =	shalt  }
0x68: {  	_ =	shalt  }
0x69: {  	_ =	shalt  }
0x6a: {  	_ =	shalt  }
0x6b: {  	_ =	shalt  }
0x6c: {  	_ =	shalt  }
0x6d: {  	_ =	shalt  }
0x6e: {  	_ =	shalt  }
0x6f: {  	_ =	shalt  }
0x70: {  	_ =	shalt  }
0x71: {  	_ =	shalt  }
0x72: {  	_ =	shalt  }
0x73: {  	_ =	shalt  }
0x74: {  	_ =	shalt  }
0x75: {  	_ =	shalt  }
0x76: {  	_ =	shalt  }
0x77: {  	_ =	shalt  }
0x78: {  	_ =	shalt  }
0x79: {  	_ =	shalt  }
0x7a: {  	_ =	shalt  }
0x7b: {  	_ =	shalt  }
0x7c: {  	_ =	shalt  }
0x7d: {  	_ =	shalt  }
0x7e: {  	_ =	shalt  }
0x7f: {  	_ =	shalt  }
0x80: {  	_ =	shalt  }
0x81: {  	_ =	shalt  }
0x82: {  	_ =	shalt  }
0x83: {  	_ =	shalt  }
0x84: {  	_ =	shalt  }
0x85: {  	_ =	shalt  }
0x86: {  	_ =	shalt  }
0x87: {  	_ =	shalt  }
.Lfunc_end0:
.L_simem_size_0:
called_computation_lowered:
.L_overlay_start_0:
0x88: {  	s2 =	sld [smem:$0x3FD9]  }
0x89: {  	s3 =	sld [smem:$0x3FFE];
	_ =	sdelay $0x1  }
0x8a: {  	s1 =	srdreg.scid  }
0x8b: {  	s0 =	sand.u32 $0x1, s1  }
0x8c: {  	s17 =	sshll.u32 s0, $0xA;
	s2 =	sadd.s32 s3, s2  }
0x8d: {  	s2 =	sadd.s32 s2, s17  }
0x8e: {  	[smem:$0x3FC5] =	sst s2  }
0x8f: {  	_ = 	snop  }
0x90: {  	s2 =	sld [smem:$0x3FD0];
	(tm) =	ssettm $0x1  }
0x91: {  	s18 =	sld [smem:$0x3FFB];
	_ =	sdelay $0x3  }
0x92: {  	_ =	strace s18  }
0x93: {  	s3 =	sld [smem:$0x3FFC];
	_ =	sdelay $0x3  }
0x94: {  	_ =	strace s3  }
0x95: {  	s3 =	sld [smem:$0x3FFD];
	_ =	sdelay $0x3  }
0x96: {  	_ =	strace s3  }
0x97: {  	_ =	strace $0x8FFFFFFF  }
0x98: {  	s19 =	sld [smem:$0x3FDB];
	_ =	sdelay $0x1  }
0x99: {  	s4 =	simm.s32 $_scs_section_size  }
0x9a: {  	s5 =	simm.s32 $_size__tile_overlayer_lowered;
	s6 =	simm.s32 $_tile_overlayer_lowered  }
0x9b: {  	s22 =	simm.s32 $0x1BFF;
	s21 =	sshll.u32 s6, $0x1;
	s3 =	sadd.s32 s4, s19  }
0x9c: {  	s7 =	simm.s32 $0x0;
	s20 =	sshll.u32 s5, $0x1;
	s5 =	sadd.s32 s21, s3  }
0x9d: {  	[timem:s7], [sflag:s22] =	dma.local [hbm:s5], s20  }
0x9e: {  	_ =	swait.ge [sflag:s22], s20  }
0x9f: {  	s4 =	ssub.s32 $0x0, s20;
	[sflag:s22] =	ssyncset.done $0x0  }
0xa0: {  	[sflag:s22] =	ssyncadd.s32 s4;
	_ =	sdelay $0x1  }
0xa1: {  	s23 =	simm.s32 $0x1B8B  }
0xa2: {  	_ =	swait.ge [sflag:s23], $0x1  }
0xa3: {  	[sflag:s23] =	ssyncset.done $0x0  }
0xa4: {  	s25 =	simm.s32 $0x1B8E;
	s24 =	sld [smem:$0x3FFE];
	[sflag:s23] =	ssyncadd.s32 $0xFFFFFFFF  }
0xa5: {  	s26 =	simm.s32 $execute0_lowered;
	[smem:$0x3FD2] =	sst s25  }
0xa6: {  	s5 =	sshll.u32 s26, $0x1;
	_ =	strace $0x80000046;
	[dreg:$0x1] =	wrdreg $0xFFFFFFFF  }
0xa7: {  	s28 =	simm.s32 $_size_execute0_lowered;
	s3 =	sadd.s32 s3, s5;
	[dreg:$0x0] =	wrdreg $0x0  }
0xa8: {  	s5 =	sshll.u32 s28, $0x1;
	[dreg:$0x2] =	wrdreg s3  }
0xa9: {  	[dreg:$0x3] =	wrdreg s5  }
0xaa: {  	[dreg:$0x4] =	wrdreg $0xC0  }
0xab: {  	_ =	task [dreg:s7], $0x5FFFF  }
0xac: {  	[dreg:$0x1] =	wrdreg $0xFFFFFFFF  }
0xad: {  	[dreg:$0x0] =	wrdreg $0x60  }
0xae: {  	[dreg:$0x2] =	wrdreg s2  }
0xaf: {  	[dreg:$0x3] =	wrdreg s24  }
0xb0: {  	[dreg:$0x4] =	wrdreg $0x9  }
0xb1: {  	_ =	task.clear_ibuf [dreg:s7], $0x5FFFF;
	_ =	strace $0x90000046  }
0xb2: {  	s29 =	simm.s32 $0x9;
	_ =	strace $0x80000048  }
0xb3: {  	_ =	swait.ge [sflag:s29], $0x1  }
0xb4: {  	[sflag:s29] =	ssyncadd.s32 $0xFFFFFFFF  }
0xb5: {  	_ =	strace $0x90000048  }
0xb6: {  	_ =	sfence  }
0xb7: {  	s30 =	sld [smem:$0x0];
	_ =	sdelay $0x2  }
0xb8: {  	s31 =	sshll.u32 s1, $0xD;
	s1 =	sshrl.u32 s1, $0x2  }
0xb9: {  	s3 =	sand.u32 $0x4000, s31;
	s1 =	sadd.s32 s1, s30  }
0xba: {  	s0 =	sor.u32 s3, s0;
	s1 =	sshll.u32 s1, $0x11  }
0xbb: {  	s0 =	sor.u32 s1, s0  }
0xbc: {  	s0 =	sadd.s32 $0x8F2B, s0  }
0xbd: {  	[sflag:s0] =	ssyncadd.remote.s32 $0x1  }
0xbe: {  	_ =	sfence.sel $0xFFFF  }
0xbf: {  	[dreg:$0x0] =	wrdreg $0xFFFFFFFF;
	(pc) =	sbr.abs _section_cstart, $3  }
0xc0: {  	[dreg:$0x1] =	wrdreg $0xFFFFFFFF  }
0xc1: {  	_ =	task.clear_ibuf [dreg:s7], $0x2FFFF;
	_ =	strace $0x9FFFFFFF  }
0xc2: {  	(tm) =	ssettm $0x7FFFFFFF  }
0xc3: {  	_ =	shalt  }
tec
execute0_lowered:
.L_overlay_start_1:
0x0: {  	(tag) =	ssettag $0x1  }
0x1: {  	s1 =	rddreg [dreg:$0x0]  }
0x2: {  	s6 =	rddreg [dreg:$0x1]  }
0x3: {  	s0 =	rddreg [dreg:$0x2]  }
0x4: {  	s2 =	simm.s32 $0x0;
	s3 =	srdreg.scid;
	s11 =	simm.s32 $0x12C00  }
0x5: {  	s12 =	simm.s32 $0x12D00;
	s13 =	simm.s32 $0x0;
	[smem:$0x7FF] =	sst s2  }
0x6: {  	s4 =	sadd.s32 $0x400, s6;
	s7 =	sand.u32 $0x1, s3;
	s5 =	sadd.s32 $0x2400, s6  }
0x7: {  	s3 =	stileid.u32;
	s6 =	sadd.s32 $0x4400, s6;
	s8 =	ssub.s32 $0x2, s7  }
0x8: {  	s10 =	sshll.u32 s3, $0x6;
	s7 =	sshll.u32 s7, $0x5;
	s9 =	sshrl.u32 s8, $0x1  }
0x9: {  	v0 =	vlaneseq.u32;
	_ =	strace $0x80000047;
	s7 =	sor.u32 s7, s10;
	s8 =	ssub.s32 s8, s9  }
0xa: {  	v1 =	vor.u32 $0x10, v0;
	v2 =	vor.u32 $0x20, v0;
	v3 =	vor.u32 $0x30, v0;
	s10 =	simm.s32 $0xFA00;
	s9 =	simm.s32 $0x1;
	s8 =	smax.u32 s8, $0x1  }
.LBB2_1:
0xb: {  	[tilespmem:s2], [sflag:$0x1] =	stream.linear.gather [hbm4b:s4+s2], $0xFA00, $0x38;
	[tilespmem:$0x15F00] =	vst v63  }
0xc: {  	_ =	swait.ge [sflag:s9], $0xFA00  }
0xd: {  	[sflag:s9] =	ssyncset.done $0x0  }
0xe: {  	s14 =	simm.s32 $0x0;
	[sflag:s9] =	ssyncadd.s32 $0xFFFF0600  }
.LBB2_2:
0xf: {  	s15 =	smul.u32 $0x3200, s14;
	_ =	sdelay $0x1  }
0x10: {  	s16 =	sshrl.u32 s15, $0x3  }
0x11: {  	s17 =	sadd.s32 s5, s16;
	s16 =	simm.s32 $0x0  }
0x12: {  	[tilespmem:s10], [sflag:$0x1] =	stream.linear.gather [hbm4b:s17+s16], $0x3200, $0x38;
	[tilespmem:$0x15F00] =	vst v63  }
0x13: {  	_ =	swait.ge [sflag:s9], $0x3200  }
0x14: {  	[sflag:s9] =	ssyncset.done $0x0  }
0x15: {  	s18 =	simm.s32 $0x0;
	s17 =	smul.u32 $0xC8, s14;
	[sflag:s9] =	ssyncadd.s32 $0xFFFFCE00  }
.LBB2_3:
0x16: {  	s19 =	sadd.s32 s7, s18  }
0x17: {  	s20 =	smul.u32 $0x3E8, s19;
	_ =	sdelay $0x1  }
0x18: {  	s20 =	sadd.s32 s17, s20  }
0x19: {  	s20 =	sshrl.u32 s20, $0x3  }
0x1a: {  	v4 =	vmov s16;
	s20 =	sadd.s32 s1, s20  }
0x1b: {  	[tilespmem:s11], [sflag:$0x1] =	stream.linear.gather [hbm4b:s20+s16], $0xC8, $0x38;
	[tilespmem:$0x15F00] =	vst v63  }
0x1c: {  	_ =	swait.ge [sflag:s9], $0xC8  }
0x1d: {  	[sflag:s9] =	ssyncset.done $0x0  }
0x1e: {  	[sflag:s9] =	ssyncadd.s32 $0xFFFFFF38  }
0x1f: {  	v4 =	vld.idx.msk [tilespmem:v4+s11+$0x0], $0xffff;
	_ =	sdelay $0x4  }
0x20: {  	v4 =	vshll.u32 v4, $0x6  }
0x21: {  	v5 =	vor.u32 v0, v4;
	_ =	sdelay $0x2  }
0x22: {  	s21 =	simm.s32 $0xFA20  }
0x23: {  	v6 =	vld [tilespmem:s21+$0xFFFFFFE0]  }
0x24: {  	v5 =	vld.idx.msk [tilespmem:v5+s2+$0x0], $0xffff;
	_ =	sdelay $0x2  }
0x25: {  	v7 =	vor.u32 v1, v4;
	_ =	sdelay $0x1  }
0x26: {  	v5 =	vadd.f32 v6, v5  }
0x27: {  	s20 =	simm.s32 $0x12D20  }
0x28: {  	[tilespmem:s20+$0xFFFFFFE0] =	vst v5  }
0x29: {  	v5 =	vld.idx.msk [tilespmem:v7+s2+$0x0], $0xffff  }
0x2a: {  	v6 =	vld [tilespmem:s21+$0xFFFFFFF0];
	_ =	sdelay $0x2  }
0x2b: {  	v7 =	vor.u32 v2, v4;
	_ =	sdelay $0x1  }
0x2c: {  	v5 =	vadd.f32 v6, v5;
	_ =	sdelay $0x1  }
0x2d: {  	[tilespmem:s20+$0xFFFFFFF0] =	vst v5  }
0x2e: {  	v5 =	vld.idx.msk [tilespmem:v7+s2+$0x0], $0xffff  }
0x2f: {  	v6 =	vld [tilespmem:s21+$0x0];
	_ =	sdelay $0x2  }
0x30: {  	v4 =	vor.u32 v3, v4;
	_ =	sdelay $0x1  }
0x31: {  	v5 =	vadd.f32 v6, v5;
	_ =	sdelay $0x1  }
0x32: {  	[tilespmem:s20+$0x0] =	vst v5  }
0x33: {  	v5 =	vld.idx.msk [tilespmem:v4+s2+$0x0], $0xffff  }
0x34: {  	v6 =	vld [tilespmem:s21+$0x10];
	_ =	sdelay $0x1  }
0x35: {  	s22 =	simm.s32 $0x1  }
0x36: {  	v4 =	vmov s22;
	_ =	sdelay $0x1  }
0x37: {  	s24 =	simm.s32 $0x2;
	v5 =	vadd.f32 v6, v5  }
.LBB2_4:
0x38: {  	s21 =	sadd.s32 $0x40, s21  }
0x39: {  	s23 =	smov.u32 s24;
	s22 =	sadd.s32 $0x1, s24;
	[tilespmem:s20+$0x10] =	vst v5;
	s20 =	sadd.s32 $0x40, s20  }
0x3a: {  	p0 =	sne.s32 s24, $0xC7;
	v4 =	vld.idx.msk [tilespmem:v4+s11+$0x0], $0xffff;
	_ =	sdelay $0x5  }
0x3b: {  	v4 =	vshll.u32 v4, $0x6  }
0x3c: {  	v5 =	vor.u32 v0, v4;
	_ =	sdelay $0x4  }
0x3d: {  	v5 =	vld.idx.msk [tilespmem:v5+s2+$0x0], $0xffff  }
0x3e: {  	v6 =	vld [tilespmem:s21+$0xFFFFFFE0];
	_ =	sdelay $0x2  }
0x3f: {  	v7 =	vor.u32 v1, v4;
	_ =	sdelay $0x1  }
0x40: {  	v5 =	vadd.f32 v6, v5;
	_ =	sdelay $0x1  }
0x41: {  	[tilespmem:s20+$0xFFFFFFE0] =	vst v5  }
0x42: {  	v5 =	vld.idx.msk [tilespmem:v7+s2+$0x0], $0xffff  }
0x43: {  	v6 =	vld [tilespmem:s21+$0xFFFFFFF0];
	_ =	sdelay $0x2  }
0x44: {  	v7 =	vor.u32 v2, v4;
	_ =	sdelay $0x1  }
0x45: {  	v5 =	vadd.f32 v6, v5;
	_ =	sdelay $0x1  }
0x46: {  	[tilespmem:s20+$0xFFFFFFF0] =	vst v5  }
0x47: {  	v5 =	vld.idx.msk [tilespmem:v7+s2+$0x0], $0xffff  }
0x48: {  	v6 =	vld [tilespmem:s21+$0x0];
	_ =	sdelay $0x2  }
0x49: {  	v4 =	vor.u32 v3, v4;
	_ =	sdelay $0x1  }
0x4a: {  	v5 =	vadd.f32 v6, v5;
	_ =	sdelay $0x1  }
0x4b: {  	[tilespmem:s20+$0x0] =	vst v5  }
0x4c: {  	v5 =	vld.idx.msk [tilespmem:v4+s2+$0x0], $0xffff  }
0x4d: {  	v6 =	vld [tilespmem:s21+$0x10]  }
.Ltmp0:
0x4e: {  	(pc) =	sbr.rel @p0 .LBB2_4-.Ltmp0, $3  }
0x4f: {  	_ = 	snop  }
0x50: {  	v4 =	vmov s23;
	_ =	sdelay $0x1  }
0x51: {  	s24 =	smov.u32 s22;
	v5 =	vadd.f32 v6, v5  }
0x52: {  	_ =	sdelay $0x2  }
0x53: {  	[tilespmem:s20+$0x10] =	vst v5  }
0x54: {  	v4 =	vld.idx.msk [tilespmem:v4+s11+$0x0], $0xffff;
	_ =	sdelay $0x4  }
0x55: {  	v4 =	vshll.u32 v4, $0x6  }
0x56: {  	v5 =	vor.u32 v0, v4;
	_ =	sdelay $0x2  }
0x57: {  	s21 =	sadd.s32 $0x40, s21  }
0x58: {  	v6 =	vld [tilespmem:s21+$0xFFFFFFE0]  }
0x59: {  	v5 =	vld.idx.msk [tilespmem:v5+s2+$0x0], $0xffff;
	_ =	sdelay $0x2  }
0x5a: {  	v7 =	vor.u32 v1, v4;
	_ =	sdelay $0x1  }
0x5b: {  	v5 =	vadd.f32 v6, v5  }
0x5c: {  	s31 =	sadd.s32 $0x40, s20  }
0x5d: {  	[tilespmem:s31+$0xFFFFFFE0] =	vst v5  }
0x5e: {  	v5 =	vld.idx.msk [tilespmem:v7+s2+$0x0], $0xffff  }
0x5f: {  	v61 =	vld [tilespmem:s21+$0xFFFFFFF0];
	_ =	sdelay $0x2  }
0x60: {  	v62 =	vor.u32 v2, v4;
	_ =	sdelay $0x1  }
0x61: {  	v5 =	vadd.f32 v61, v5;
	_ =	sdelay $0x1  }
0x62: {  	[tilespmem:s31+$0xFFFFFFF0] =	vst v5  }
0x63: {  	v5 =	vld.idx.msk [tilespmem:v62+s2+$0x0], $0xffff  }
0x64: {  	v63 =	vld [tilespmem:s21+$0x0];
	_ =	sdelay $0x2  }
0x65: {  	v4 =	vor.u32 v3, v4;
	_ =	sdelay $0x1  }
0x66: {  	v5 =	vadd.f32 v63, v5;
	_ =	sdelay $0x1  }
0x67: {  	[tilespmem:s31+$0x0] =	vst v5  }
0x68: {  	v4 =	vld.idx.msk [tilespmem:v4+s2+$0x0], $0xffff  }
0x69: {  	v5 =	vld [tilespmem:s21+$0x10];
	_ =	sdelay $0x2  }
0x6a: {  	s19 =	smul.u32 $0xFA00, s19;
	_ =	sdelay $0x1  }
0x6b: {  	s18 =	sadd.s32 $0x1, s18;
	s19 =	sadd.s32 s15, s19;
	v4 =	vadd.f32 v5, v4  }
0x6c: {  	p0 =	sne.s32 s18, $0x20;
	s19 =	sshrl.u32 s19, $0x3  }
.Ltmp1:
0x6d: {  	s19 =	sadd.s32 s6, s19;
	[tilespmem:s31+$0x10] =	vst v4;
	(pc) =	sbr.rel @p0 .LBB2_3-.Ltmp1, $4  }
0x6e: {  	[hbm4b:s19+s2] =	stream.linear.scatter [tilespmem:s12], [sflag:$0x1], $0x3200, $0x38;
	[tilespmem:$0x15F00] =	vst v63  }
0x6f: {  	_ =	swait.ge [sflag:s9], $0x3200  }
0x70: {  	[sflag:s9] =	ssyncset.done $0x0  }
0x71: {  	[sflag:s9] =	ssyncadd.s32 $0xFFFFCE00  }
0x72: {  	s14 =	sadd.s32 $0x1, s14  }
0x73: {  	p0 =	sne.s32 s14, $0x5  }
.Ltmp2:
0x74: {  	_ = 	snop;
	(pc) =	sbr.rel @p0 .LBB2_2-.Ltmp2, $1  }
0x75: {  	_ =	sdelay $0x3  }
0x76: {  	s13 =	sadd.s32 $0x1, s13  }
0x77: {  	p0 =	sne.s32 s13, s8  }
.Ltmp3:
0x78: {  	_ = 	snop;
	(pc) =	sbr.rel @p0 .LBB2_1-.Ltmp3, $1  }
0x79: {  	_ =	sdelay $0x3  }
0x7a: {  	_ =	sfence.sel $0x180000  }
0x7b: {  	[bflag:$0x0] =	sbarrier.arrive $0xFFFF  }
0x7c: {  	p0 =	sne.s32 s3, $0x0;
	_ =	strace $0x90000047  }
0x7d: {  	s0 =	sadd.s32 @!p0 $0x100000, s0;
	[bflag:$0x2] =	sbarrier.arrive $0xFFFF  }
0x7e: {  	[sflag:s0] =	ssyncadd.tile.s32 @!p0 $0x1;
	_ =	shalt  }
.Lfunc_end2:
_tile_overlayer_lowered:
.L_overlay_start_2:
0x7f: {  	(tag) =	ssettag $0x2  }
0x80: {  	s0 =	rddreg [dreg:$0x0];
	s2 =	stileid.u32  }
0x81: {  	s1 =	rddreg [dreg:$0x1];
	p0 =	sne.s32 s2, $0x0  }
0x82: {  	s3 =	rddreg [dreg:$0x2];
	[bflag:$0x3] =	sbarrier.arrive $0xFFFF;
	s2 =	simm.s32 @!p0 $0x1C01  }
0x83: {  	[timem:s3], [sflag:s2] =	dma.local @!p0 [hbm:s0], s1  }
0x84: {  	s0 =	simm.s32 @!p0 $0x1  }
0x85: {  	_ =	swait.ge @!p0 [sflag:s0], s1  }
0x86: {  	s1 =	ssub.s32 @!p0 $0x0, s1;
	[sflag:s0] =	ssyncset.done @!p0 $0x0  }
0x87: {  	[sflag:s0] =	ssyncadd.s32 @!p0 s1  }
0x88: {  	[bflag:$0x3] =	sbarrier.arrive $0xFFFF  }
0x89: {  	_ =	shalt  }

</sc_bundles>
